<compile_context>
chip_gen: v7x
topology: tpu7x:2x2x1
jax: 0.10.2.dev20260603
libtpu: 0.0.44.dev20260713+nightly
codegen_flags: <defaults>
</compile_context>

<pallas_src>
import functools

import jax
import jax.numpy as jnp
from jax import lax
from jax.experimental import pallas as pl
from jax.experimental.pallas import tpu as pltpu
from jax.experimental.pallas import tpu_sc as plsc

_N = 32
_D = 128
_R = 3
_S = 32
_E = 64
_V = 40000
_VB = 2048
_VPAD = 40960
_NB = _VPAD // _VB
_NEG = -1e30


def _sc_gather(table, idx_flat):
    n_rows = idx_flat.shape[0]
    nw = 32
    bpw = n_rows // nw
    mesh = plsc.VectorSubcoreMesh(core_axis_name="c", subcore_axis_name="s")

    @functools.partial(
        pl.kernel,
        mesh=mesh,
        out_type=jax.ShapeDtypeStruct((n_rows, _D), jnp.float32),
        scratch_types=[
            pltpu.VMEM((bpw,), jnp.int32),
            pltpu.VMEM((bpw, _D), jnp.float32),
            pltpu.SemaphoreType.DMA,
        ],
    )
    def gather_kernel(table_hbm, idx_hbm, out_hbm, idx_v, rows_v, sem):
        wid = lax.axis_index("s") * 2 + lax.axis_index("c")
        base = wid * bpw
        pltpu.sync_copy(idx_hbm.at[pl.ds(base, bpw)], idx_v)
        pltpu.async_copy(table_hbm.at[idx_v], rows_v, sem).wait()
        pltpu.sync_copy(rows_v, out_hbm.at[pl.ds(base, bpw)])

    return gather_kernel(table, idx_flat)


def _stage_body(src_ref, dst_ref, g3_ref, gflat_ref, wrel_ref, w0_ref,
                ugw_ref, ugu_ref, x1_ref, ng_ref, prop_ref):
    src = src_ref[...]
    dst = dst_ref[...]
    nodes = lax.broadcasted_iota(jnp.int32, (_S * _R, _N, _E), 1)
    eq_d = (dst[:, None, :] == nodes).astype(jnp.float32)
    deg = 1.0 + jnp.sum(eq_d, axis=2)
    dinv = lax.rsqrt(deg)
    mask0 = (dst == 0).astype(jnp.float32)[:, None, :]
    eq_s = (src[:, None, :] == nodes).astype(jnp.float32)
    cnt0 = jnp.sum(mask0 * eq_s, axis=2)
    dinv0 = dinv[:, 0:1]
    node2 = lax.broadcasted_iota(jnp.int32, (_S * _R, _N), 1)
    self0 = (node2 == 0).astype(jnp.float32)
    c = dinv0 * dinv * cnt0 + self0 * dinv0 * dinv0
    c3 = c.reshape(_S, _R, _N)

    g3 = g3_ref[...]
    y = lax.dot_general(c3, g3, (((2,), (1,)), ((0,), (0,))),
                        preferred_element_type=jnp.float32)
    wrel = wrel_ref[...]
    prop = jnp.dot(g3[:, 0, :], w0_ref[...],
                   preferred_element_type=jnp.float32)
    for r in range(_R):
        prop = prop + jnp.dot(y[:, r, :], wrel[r],
                              preferred_element_type=jnp.float32)
    ng_ref[...] = jnp.dot(gflat_ref[...], ugw_ref[...],
                          preferred_element_type=jnp.float32)
    prop_ref[...] = prop
    ugu = ugu_ref[...]

    def body(t, mem0):
        pg = jnp.dot(mem0, ugu, preferred_element_type=jnp.float32)
        ngt = ng_ref[pl.ds(t, 1), :]
        pt = prop_ref[pl.ds(t, 1), :]
        gate = jax.nn.sigmoid(ngt + pg)
        new = gate * pt + (1.0 - gate) * mem0
        x1_ref[pl.ds(t, 1), :] = jnp.where(new >= 0.0, new, 0.01 * new)
        return new

    lax.fori_loop(0, _S, body, jnp.zeros((1, _D), jnp.float32))


def _logits_body(x1_ref, w_ref, b_ref, out_ref, buf_ref, m_ref, s_ref):
    p = pl.program_id(0)
    j = pl.program_id(1)

    @pl.when(p == 0)
    def _():
        logits = jnp.dot(x1_ref[...], w_ref[...],
                         preferred_element_type=jnp.float32) + b_ref[...]
        col = j * _VB + lax.broadcasted_iota(jnp.int32, (_S, _VB), 1)
        logits = jnp.where(col < _V, logits, _NEG)
        buf_ref[j] = logits

        @pl.when(j == 0)
        def _():
            m_ref[...] = jnp.full((_S, 1), _NEG, jnp.float32)
            s_ref[...] = jnp.zeros((_S, 1), jnp.float32)

        m_old = m_ref[...]
        m_new = jnp.maximum(m_old, jnp.max(logits, axis=1, keepdims=True))
        s_ref[...] = (s_ref[...] * jnp.exp(m_old - m_new)
                      + jnp.sum(jnp.exp(logits - m_new), axis=1,
                                keepdims=True))
        m_ref[...] = m_new

    @pl.when(p == 1)
    def _():
        lse = m_ref[...] + jnp.log(s_ref[...])
        out_ref[...] = buf_ref[j] - lse


def kernel(X, W_rel, W_0, update_gate_W, update_gate_U, W_glob, b_glob,
           x_indices, edge_index):
    idx_flat = x_indices.reshape(-1).astype(jnp.int32)
    g = _sc_gather(X, idx_flat)
    g3 = g.reshape(_S, _N, _D)
    gflat = g.reshape(_S, _N * _D)

    ei = edge_index.reshape(_S * _R, 2, _E).astype(jnp.int32)
    src = ei[:, 0, :]
    dst = ei[:, 1, :]

    x1 = pl.pallas_call(
        _stage_body,
        out_shape=jax.ShapeDtypeStruct((_S, _D), jnp.float32),
        scratch_shapes=[pltpu.VMEM((_S, _D), jnp.float32),
                        pltpu.VMEM((_S, _D), jnp.float32)],
    )(src, dst, g3, gflat, W_rel, W_0, update_gate_W, update_gate_U)

    preds_globals = pl.pallas_call(
        _logits_body,
        grid=(2, _NB),
        in_specs=[
            pl.BlockSpec((_S, _D), lambda p, j: (0, 0)),
            pl.BlockSpec((_D, _VB), lambda p, j: (0, j * (1 - p))),
            pl.BlockSpec((1, _VB), lambda p, j: (0, j * (1 - p))),
        ],
        out_specs=pl.BlockSpec((_S, _VB), lambda p, j: (0, p * j)),
        out_shape=jax.ShapeDtypeStruct((_S, _V), jnp.float32),
        scratch_shapes=[pltpu.VMEM((_NB, _S, _VB), jnp.float32),
                        pltpu.VMEM((_S, 1), jnp.float32),
                        pltpu.VMEM((_S, 1), jnp.float32)],
    )(x1, W_glob, b_glob.reshape(1, _V))

    preds_senses = jnp.zeros((_S,), dtype=jnp.float32)
    return (preds_globals, preds_senses)

# --- scband reference (transcript-rebuilt; emitter-appended) ---
"""Pipeline reference for scband-gru-rgcn-30932354466392 (READ-ONLY COPY).

The authoritative reference and input builder live on the scoring server;
editing this copy changes nothing except your own understanding.
"""

import jax, jax.numpy as jnp
import numpy as np

NUM_NODES = 100000
D = 128
N = 32
R = 3
B = 4
T = 8
E = 64
V = 40000


def setup_inputs(seed: int = 0) -> dict:
    key = jax.random.key(seed)
    ks = jax.random.split(key, 10)
    x_indices = jax.random.randint(ks[0], (B, T, N), 0, NUM_NODES)
    edge_index = jax.random.randint(ks[1], (B, T, R, 2, E), 0, N)
    X = jax.random.normal(ks[2], (NUM_NODES, D), dtype=jnp.float32) * 0.02
    W_rel = jax.random.normal(ks[3], (R, D, D), dtype=jnp.float32) * 0.05
    W_0 = jax.random.normal(ks[4], (D, D), dtype=jnp.float32) * 0.05
    update_gate_W = jax.random.normal(ks[5], (N * D, D), dtype=jnp.float32) * 0.02
    update_gate_U = jax.random.normal(ks[6], (D, D), dtype=jnp.float32) * 0.05
    W_glob = jax.random.normal(ks[7], (D, V), dtype=jnp.float32) * 0.02
    b_glob = jnp.zeros((V,), dtype=jnp.float32)
    return {
        "X": X,
        "W_rel": W_rel,
        "W_0": W_0,
        "update_gate_W": update_gate_W,
        "update_gate_U": update_gate_U,
        "W_glob": W_glob,
        "b_glob": b_glob,
        "x_indices": x_indices,
        "edge_index": edge_index,
    }


def _gcn_conv(x, ei, W):
    # GCNConv (no bias) with self-loops and symmetric normalization
    n = x.shape[0]
    self_idx = jnp.arange(n)
    src = jnp.concatenate([ei[0], self_idx])
    dst = jnp.concatenate([ei[1], self_idx])
    deg = jnp.zeros((n,), dtype=x.dtype).at[dst].add(1.0)
    dinv = jnp.where(deg > 0, 1.0 / jnp.sqrt(deg), 0.0)
    norm = dinv[src] * dinv[dst]
    h = x @ W
    out = jnp.zeros_like(h).at[dst].add(h[src] * norm[:, None])
    return out


def reference(X, W_rel, W_0, update_gate_W, update_gate_U, W_glob, b_glob, x_indices, edge_index):
    memory = jnp.zeros((N, D), dtype=jnp.float32)
    preds_globals = []
    preds_senses = []
    for b in range(B):
        for t in range(T):
            idx = x_indices[b, t]
            grapharea_x = jnp.take(X, idx, axis=0)  # gather node features
            rels_out = _gcn_conv(grapharea_x, edge_index[b, t, 0], W_rel[0])
            for r in range(1, R):
                rels_out = rels_out + _gcn_conv(grapharea_x, edge_index[b, t, r], W_rel[r])
            # A0_selfadj = I, so mm(I, mm(x, W0)) == x @ W0
            prevlayer_connection = grapharea_x @ W_0
            proposed = rels_out + prevlayer_connection
            ng = grapharea_x.reshape(1, -1) @ update_gate_W
            pg = memory[0:1, :] @ update_gate_U
            update_gate = jax.nn.sigmoid(ng + pg)
            rgcn_conv = update_gate * proposed + (1.0 - update_gate) * memory
            # buffer copy via .data breaks the autograd graph in torch
            memory = jax.lax.stop_gradient(rgcn_conv)
            x_Lplus1 = jax.nn.leaky_relu(rgcn_conv, negative_slope=0.01)
            x1 = x_Lplus1[0]
            logits = x1 @ W_glob + b_glob
            preds_globals.append(jax.nn.log_softmax(logits, axis=0))
            preds_senses.append(jnp.zeros((), dtype=jnp.float32))
    return (jnp.stack(preds_globals, axis=0), jnp.stack(preds_senses, axis=0))

if __name__ == "__main__":
    import jax
    _d = setup_inputs()
    print(jax.jit(kernel)(*tuple(_d.values())))

</pallas_src>

<mosaic_0001>
#map = affine_map<(d0, d1) -> (0, 0)>
#map1 = affine_map<(d0, d1) -> (0)>
module attributes {stable_mosaic.version = 14 : i64} {
  func.func @gather_kernel(%arg0: i32, %arg1: i32, %arg2: memref<100000x128xf32, #tpu.memory_space<hbm>>, %arg3: memref<1024xi32, #tpu.memory_space<hbm>>, %arg4: memref<1024x128xf32, #tpu.memory_space<hbm>>, %arg5: memref<32xi32, #tpu.memory_space<vmem>>, %arg6: memref<32x128xf32, #tpu.memory_space<vmem>>, %arg7: memref<!tpu.dma_semaphore, #tpu.memory_space<semaphore_mem>>) attributes {dimension_semantics = [#tpu.dimension_semantics<core_parallel>, #tpu.dimension_semantics<subcore_parallel>], iteration_bounds = array<i64: 2, 16>, scalar_prefetch = 0 : i64, scratch_operands = 3 : i64, tpu.core_type = #tpu.core_type<sc_vector_subcore>, window_params = [{transform_indices = #map}, {transform_indices = #map1}, {transform_indices = #map}]} {
    %mul3A = arith.constant 2 : i32
    %mul3A_0 = arith.muli %arg1, %mul3A : i32
    %add3A = arith.addi %mul3A_0, %arg0 : i32
    %mul3A_1 = arith.constant 32 : i32
    %mul3A_2 = arith.muli %add3A, %mul3A_1 : i32
    "tpu.region"() ({
      %run_scoped3A = tpu.sem_alloc : memref<!tpu.dma_semaphore, #tpu.memory_space<semaphore_mem>>
      %dma_start3A_7 = tpu.memref_slice %arg3[%mul3A_2] : memref<1024xi32, #tpu.memory_space<hbm>> -> memref<32xi32, #tpu.memory_space<hbm>>
      %dma_start3A_8 = tpu.memref_slice %arg3[%mul3A_2] : memref<1024xi32, #tpu.memory_space<hbm>> -> memref<32xi32, #tpu.memory_space<hbm>>
      tpu.enqueue_dma source(%dma_start3A_8 : memref<32xi32, #tpu.memory_space<hbm>>) target(%arg5 : memref<32xi32, #tpu.memory_space<vmem>>) target_semaphore(%run_scoped3A : memref<!tpu.dma_semaphore, #tpu.memory_space<semaphore_mem>>)
      %dma_wait3A_9 = tpu.memref_slice %arg3[%mul3A_2] : memref<1024xi32, #tpu.memory_space<hbm>> -> memref<32xi32, #tpu.memory_space<hbm>>
      %dma_wait3A_10 = tpu.memref_slice %arg3[%mul3A_2] : memref<1024xi32, #tpu.memory_space<hbm>> -> memref<32xi32, #tpu.memory_space<hbm>>
      tpu.wait_dma2 semaphore(%run_scoped3A : memref<!tpu.dma_semaphore, #tpu.memory_space<semaphore_mem>>) src(%dma_wait3A_10 : memref<32xi32, #tpu.memory_space<hbm>>) dst(%arg5 : memref<32xi32, #tpu.memory_space<vmem>>)
      tpu.yield
    }) : () -> ()
    %dma_start3A = arith.constant 0 : i32
    %dma_start3A_3 = arith.constant 0 : i32
    %dma_start3A_4 = tpu.memref_slice %arg2[%dma_start3A, %dma_start3A_3] : memref<100000x128xf32, #tpu.memory_space<hbm>> -> memref<100000x128xf32, #tpu.memory_space<hbm>>
    tpu.enqueue_indirect_dma source(%dma_start3A_4 : memref<100000x128xf32, #tpu.memory_space<hbm>>) target(%arg6 : memref<32x128xf32, #tpu.memory_space<vmem>>) offsets(%arg5 : memref<32xi32, #tpu.memory_space<vmem>>) semaphore(%arg7 : memref<!tpu.dma_semaphore, #tpu.memory_space<semaphore_mem>>)
    %dma_wait3A = arith.constant 0 : i32
    %dma_wait3A_5 = arith.constant 0 : i32
    %dma_wait3A_6 = tpu.memref_slice %arg2[%dma_wait3A, %dma_wait3A_5] : memref<100000x128xf32, #tpu.memory_space<hbm>> -> memref<100000x128xf32, #tpu.memory_space<hbm>>
    tpu.wait_indirect_dma semaphore(%arg7 : memref<!tpu.dma_semaphore, #tpu.memory_space<semaphore_mem>>) src(%dma_wait3A_6 : memref<100000x128xf32, #tpu.memory_space<hbm>>) dst(%arg6 : memref<32x128xf32, #tpu.memory_space<vmem>>)
    "tpu.region"() ({
      %run_scoped3A = tpu.sem_alloc : memref<!tpu.dma_semaphore, #tpu.memory_space<semaphore_mem>>
      %dma_start3A_7 = arith.constant 0 : i32
      %dma_start3A_8 = tpu.memref_slice %arg4[%mul3A_2, %dma_start3A_7] : memref<1024x128xf32, #tpu.memory_space<hbm>> -> memref<32x128xf32, #tpu.memory_space<hbm>>
      %dma_start3A_9 = arith.constant 0 : i32
      %dma_start3A_10 = tpu.memref_slice %arg4[%mul3A_2, %dma_start3A_9] : memref<1024x128xf32, #tpu.memory_space<hbm>> -> memref<32x128xf32, #tpu.memory_space<hbm>>
      tpu.enqueue_dma source(%arg6 : memref<32x128xf32, #tpu.memory_space<vmem>>) target(%dma_start3A_10 : memref<32x128xf32, #tpu.memory_space<hbm>>) target_semaphore(%run_scoped3A : memref<!tpu.dma_semaphore, #tpu.memory_space<semaphore_mem>>)
      %dma_wait3A_11 = arith.constant 0 : i32
      %dma_wait3A_12 = tpu.memref_slice %arg4[%mul3A_2, %dma_wait3A_11] : memref<1024x128xf32, #tpu.memory_space<hbm>> -> memref<32x128xf32, #tpu.memory_space<hbm>>
      %dma_wait3A_13 = arith.constant 0 : i32
      %dma_wait3A_14 = tpu.memref_slice %arg4[%mul3A_2, %dma_wait3A_13] : memref<1024x128xf32, #tpu.memory_space<hbm>> -> memref<32x128xf32, #tpu.memory_space<hbm>>
      tpu.wait_dma2 semaphore(%run_scoped3A : memref<!tpu.dma_semaphore, #tpu.memory_space<semaphore_mem>>) src(%arg6 : memref<32x128xf32, #tpu.memory_space<vmem>>) dst(%dma_wait3A_14 : memref<32x128xf32, #tpu.memory_space<hbm>>)
      tpu.yield
    }) : () -> ()
    return
  }
}

module attributes {stable_mosaic.version = 14 : i64} {
  func.func @_stage_body(%arg0: memref<96x64xi32, #tpu.memory_space<vmem>>, %arg1: memref<96x64xi32, #tpu.memory_space<vmem>>, %arg2: memref<32x32x128xf32, #tpu.memory_space<vmem>>, %arg3: memref<32x4096xf32, #tpu.memory_space<vmem>>, %arg4: memref<3x128x128xf32, #tpu.memory_space<vmem>>, %arg5: memref<128x128xf32, #tpu.memory_space<vmem>>, %arg6: memref<4096x128xf32, #tpu.memory_space<vmem>>, %arg7: memref<128x128xf32, #tpu.memory_space<vmem>>, %arg8: memref<32x128xf32, #tpu.memory_space<vmem>>, %arg9: memref<32x128xf32, #tpu.memory_space<vmem>>, %arg10: memref<32x128xf32, #tpu.memory_space<vmem>>) attributes {dimension_semantics = [], scalar_prefetch = 0 : i64, scratch_operands = 2 : i64, tpu.core_type = #tpu.core_type<tc>} {
    %get3A = arith.constant 0 : index
    %get3A_0 = arith.constant 0 : index
    %get3A_1 = vector.load %arg0[%get3A, %get3A_0] : memref<96x64xi32, #tpu.memory_space<vmem>>, vector<96x64xi32>
    %get3A_2 = arith.constant 0 : index
    %get3A_3 = arith.constant 0 : index
    %get3A_4 = vector.load %arg1[%get3A_2, %get3A_3] : memref<96x64xi32, #tpu.memory_space<vmem>>, vector<96x64xi32>
    %iota3A = tpu.iota {dimensions = array<i32: 1>} : vector<96x32x64xi32>
    %broadcast_in_dim3A = vector.shape_cast %get3A_4 : vector<96x64xi32> to vector<96x1x64xi32>
    %eq3A = vector.broadcast %broadcast_in_dim3A : vector<96x1x64xi32> to vector<96x32x64xi32>
    %eq3A_5 = arith.cmpi eq, %eq3A, %iota3A : vector<96x32x64xi32>
    %convert_element_type3A = arith.extui %eq3A_5 : vector<96x32x64xi1> to vector<96x32x64xi32>
    %convert_element_type3A_6 = arith.sitofp %convert_element_type3A : vector<96x32x64xi32> to vector<96x32x64xf32>
    %reduce_sum3A = arith.constant dense<0.000000e+00> : vector<96x32xf32>
    %reduce_sum3A_7 = vector.multi_reduction <add>, %convert_element_type3A_6, %reduce_sum3A [2] : vector<96x32x64xf32> to vector<96x32xf32>
    %add3A = arith.constant 1.000000e+00 : f32
    %add3A_8 = vector.broadcast %add3A : f32 to vector<96x32xf32>
    %add3A_9 = arith.addf %add3A_8, %reduce_sum3A_7 : vector<96x32xf32>
    %rsqrt3A = math.rsqrt %add3A_9 : vector<96x32xf32>
    %eq3A_10 = arith.constant 0 : i32
    %eq3A_11 = vector.broadcast %eq3A_10 : i32 to vector<96x64xi32>
    %eq3A_12 = arith.cmpi eq, %get3A_4, %eq3A_11 : vector<96x64xi32>
    %convert_element_type3A_13 = arith.extui %eq3A_12 : vector<96x64xi1> to vector<96x64xi32>
    %convert_element_type3A_14 = arith.sitofp %convert_element_type3A_13 : vector<96x64xi32> to vector<96x64xf32>
    %broadcast_in_dim3A_15 = vector.shape_cast %convert_element_type3A_14 : vector<96x64xf32> to vector<96x1x64xf32>
    %broadcast_in_dim3A_16 = vector.shape_cast %get3A_1 : vector<96x64xi32> to vector<96x1x64xi32>
    %eq3A_17 = vector.broadcast %broadcast_in_dim3A_16 : vector<96x1x64xi32> to vector<96x32x64xi32>
    %eq3A_18 = arith.cmpi eq, %eq3A_17, %iota3A : vector<96x32x64xi32>
    %convert_element_type3A_19 = arith.extui %eq3A_18 : vector<96x32x64xi1> to vector<96x32x64xi32>
    %convert_element_type3A_20 = arith.sitofp %convert_element_type3A_19 : vector<96x32x64xi32> to vector<96x32x64xf32>
    %mul3A = vector.broadcast %broadcast_in_dim3A_15 : vector<96x1x64xf32> to vector<96x32x64xf32>
    %mul3A_21 = arith.mulf %mul3A, %convert_element_type3A_20 : vector<96x32x64xf32>
    %reduce_sum3A_22 = arith.constant dense<0.000000e+00> : vector<96x32xf32>
    %reduce_sum3A_23 = vector.multi_reduction <add>, %mul3A_21, %reduce_sum3A_22 [2] : vector<96x32x64xf32> to vector<96x32xf32>
    %slice3A = vector.extract_strided_slice %rsqrt3A {offsets = [0, 0], sizes = [96, 1], strides = [1, 1]} : vector<96x32xf32> to vector<96x1xf32>
    %iota3A_24 = tpu.iota {dimensions = array<i32: 1>} : vector<96x32xi32>
    %eq3A_25 = arith.constant 0 : i32
    %eq3A_26 = vector.broadcast %eq3A_25 : i32 to vector<96x32xi32>
    %eq3A_27 = arith.cmpi eq, %iota3A_24, %eq3A_26 : vector<96x32xi32>
    %convert_element_type3A_28 = arith.extui %eq3A_27 : vector<96x32xi1> to vector<96x32xi32>
    %convert_element_type3A_29 = arith.sitofp %convert_element_type3A_28 : vector<96x32xi32> to vector<96x32xf32>
    %mul3A_30 = vector.broadcast %slice3A : vector<96x1xf32> to vector<96x32xf32>
    %mul3A_31 = arith.mulf %mul3A_30, %rsqrt3A : vector<96x32xf32>
    %mul3A_32 = arith.mulf %mul3A_31, %reduce_sum3A_23 : vector<96x32xf32>
    %mul3A_33 = vector.broadcast %slice3A : vector<96x1xf32> to vector<96x32xf32>
    %mul3A_34 = arith.mulf %convert_element_type3A_29, %mul3A_33 : vector<96x32xf32>
    %mul3A_35 = vector.broadcast %slice3A : vector<96x1xf32> to vector<96x32xf32>
    %mul3A_36 = arith.mulf %mul3A_34, %mul3A_35 : vector<96x32xf32>
    %add3A_37 = arith.addf %mul3A_32, %mul3A_36 : vector<96x32xf32>
    %reshape3A = vector.shape_cast %add3A_37 : vector<96x32xf32> to vector<32x3x32xf32>
    %get3A_38 = arith.constant 0 : index
    %get3A_39 = arith.constant 0 : index
    %get3A_40 = arith.constant 0 : index
    %get3A_41 = vector.load %arg2[%get3A_38, %get3A_39, %get3A_40] : memref<32x32x128xf32, #tpu.memory_space<vmem>>, vector<32x32x128xf32>
    %dot_general3A = arith.constant dense<0.000000e+00> : vector<32x3x128xf32>
    %dot_general3A_42 = tpu.matmul %reshape3A, %get3A_41, %dot_general3A {dimension_numbers = #tpu.dot_dimension_numbers<[2], [1], [1], [2], [0, 0, 0, 1, 1, 2], [0], [0]>, transpose_lhs_hint = false} : vector<32x3x32xf32>, vector<32x32x128xf32>, vector<32x3x128xf32> -> vector<32x3x128xf32>
    %get3A_43 = arith.constant 0 : index
    %get3A_44 = arith.constant 0 : index
    %get3A_45 = arith.constant 0 : index
    %get3A_46 = vector.load %arg4[%get3A_43, %get3A_44, %get3A_45] : memref<3x128x128xf32, #tpu.memory_space<vmem>>, vector<3x128x128xf32>
    %slice3A_47 = vector.extract_strided_slice %get3A_41 {offsets = [0, 0, 0], sizes = [32, 1, 128], strides = [1, 1, 1]} : vector<32x32x128xf32> to vector<32x1x128xf32>
    %squeeze3A = vector.shape_cast %slice3A_47 : vector<32x1x128xf32> to vector<32x128xf32>
    %get3A_48 = arith.constant 0 : index
    %get3A_49 = arith.constant 0 : index
    %get3A_50 = vector.load %arg5[%get3A_48, %get3A_49] : memref<128x128xf32, #tpu.memory_space<vmem>>, vector<128x128xf32>
    %dot_general3A_51 = arith.constant dense<0.000000e+00> : vector<32x128xf32>
    %dot_general3A_52 = tpu.matmul %squeeze3A, %get3A_50, %dot_general3A_51 {dimension_numbers = #tpu.dot_dimension_numbers<[1], [0], [0], [1], [0, 0, 1, 1], [], []>, transpose_lhs_hint = false} : vector<32x128xf32>, vector<128x128xf32>, vector<32x128xf32> -> vector<32x128xf32>
    %slice3A_53 = vector.extract_strided_slice %dot_general3A_42 {offsets = [0, 0, 0], sizes = [32, 1, 128], strides = [1, 1, 1]} : vector<32x3x128xf32> to vector<32x1x128xf32>
    %squeeze3A_54 = vector.shape_cast %slice3A_53 : vector<32x1x128xf32> to vector<32x128xf32>
    %slice3A_55 = vector.extract_strided_slice %get3A_46 {offsets = [0, 0, 0], sizes = [1, 128, 128], strides = [1, 1, 1]} : vector<3x128x128xf32> to vector<1x128x128xf32>
    %squeeze3A_56 = vector.shape_cast %slice3A_55 : vector<1x128x128xf32> to vector<128x128xf32>
    %dot_general3A_57 = arith.constant dense<0.000000e+00> : vector<32x128xf32>
    %dot_general3A_58 = tpu.matmul %squeeze3A_54, %squeeze3A_56, %dot_general3A_57 {dimension_numbers = #tpu.dot_dimension_numbers<[1], [0], [0], [1], [0, 0, 1, 1], [], []>, transpose_lhs_hint = false} : vector<32x128xf32>, vector<128x128xf32>, vector<32x128xf32> -> vector<32x128xf32>
    %add3A_59 = arith.addf %dot_general3A_52, %dot_general3A_58 : vector<32x128xf32>
    %slice3A_60 = vector.extract_strided_slice %dot_general3A_42 {offsets = [0, 1, 0], sizes = [32, 1, 128], strides = [1, 1, 1]} : vector<32x3x128xf32> to vector<32x1x128xf32>
    %squeeze3A_61 = vector.shape_cast %slice3A_60 : vector<32x1x128xf32> to vector<32x128xf32>
    %slice3A_62 = vector.extract_strided_slice %get3A_46 {offsets = [1, 0, 0], sizes = [1, 128, 128], strides = [1, 1, 1]} : vector<3x128x128xf32> to vector<1x128x128xf32>
    %squeeze3A_63 = vector.shape_cast %slice3A_62 : vector<1x128x128xf32> to vector<128x128xf32>
    %dot_general3A_64 = arith.constant dense<0.000000e+00> : vector<32x128xf32>
    %dot_general3A_65 = tpu.matmul %squeeze3A_61, %squeeze3A_63, %dot_general3A_64 {dimension_numbers = #tpu.dot_dimension_numbers<[1], [0], [0], [1], [0, 0, 1, 1], [], []>, transpose_lhs_hint = false} : vector<32x128xf32>, vector<128x128xf32>, vector<32x128xf32> -> vector<32x128xf32>
    %add3A_66 = arith.addf %add3A_59, %dot_general3A_65 : vector<32x128xf32>
    %slice3A_67 = vector.extract_strided_slice %dot_general3A_42 {offsets = [0, 2, 0], sizes = [32, 1, 128], strides = [1, 1, 1]} : vector<32x3x128xf32> to vector<32x1x128xf32>
    %squeeze3A_68 = vector.shape_cast %slice3A_67 : vector<32x1x128xf32> to vector<32x128xf32>
    %slice3A_69 = vector.extract_strided_slice %get3A_46 {offsets = [2, 0, 0], sizes = [1, 128, 128], strides = [1, 1, 1]} : vector<3x128x128xf32> to vector<1x128x128xf32>
    %squeeze3A_70 = vector.shape_cast %slice3A_69 : vector<1x128x128xf32> to vector<128x128xf32>
    %dot_general3A_71 = arith.constant dense<0.000000e+00> : vector<32x128xf32>
    %dot_general3A_72 = tpu.matmul %squeeze3A_68, %squeeze3A_70, %dot_general3A_71 {dimension_numbers = #tpu.dot_dimension_numbers<[1], [0], [0], [1], [0, 0, 1, 1], [], []>, transpose_lhs_hint = false} : vector<32x128xf32>, vector<128x128xf32>, vector<32x128xf32> -> vector<32x128xf32>
    %add3A_73 = arith.addf %add3A_66, %dot_general3A_72 : vector<32x128xf32>
    %get3A_74 = arith.constant 0 : index
    %get3A_75 = arith.constant 0 : index
    %get3A_76 = vector.load %arg3[%get3A_74, %get3A_75] : memref<32x4096xf32, #tpu.memory_space<vmem>>, vector<32x4096xf32>
    %get3A_77 = arith.constant 0 : index
    %get3A_78 = arith.constant 0 : index
    %get3A_79 = vector.load %arg6[%get3A_77, %get3A_78] : memref<4096x128xf32, #tpu.memory_space<vmem>>, vector<4096x128xf32>
    %dot_general3A_80 = arith.constant dense<0.000000e+00> : vector<32x128xf32>
    %dot_general3A_81 = tpu.matmul %get3A_76, %get3A_79, %dot_general3A_80 {dimension_numbers = #tpu.dot_dimension_numbers<[1], [0], [0], [1], [0, 0, 1, 1], [], []>, transpose_lhs_hint = false} : vector<32x4096xf32>, vector<4096x128xf32>, vector<32x128xf32> -> vector<32x128xf32>
    %swap3A = arith.constant 0 : index
    %swap3A_82 = arith.constant 0 : index
    %swap3A_83 = vector.load %arg9[%swap3A, %swap3A_82] : memref<32x128xf32, #tpu.memory_space<vmem>>, vector<32x128xf32>
    tpu.vector_store %arg9[%swap3A, %swap3A_82], %dot_general3A_81 {strides = array<i32>} : memref<32x128xf32, #tpu.memory_space<vmem>>, vector<32x128xf32>,
    %swap3A_84 = arith.constant 0 : index
    %swap3A_85 = arith.constant 0 : index
    %swap3A_86 = vector.load %arg10[%swap3A_84, %swap3A_85] : memref<32x128xf32, #tpu.memory_space<vmem>>, vector<32x128xf32>
    tpu.vector_store %arg10[%swap3A_84, %swap3A_85], %add3A_73 {strides = array<i32>} : memref<32x128xf32, #tpu.memory_space<vmem>>, vector<32x128xf32>,
    %get3A_87 = arith.constant 0 : index
    %get3A_88 = arith.constant 0 : index
    %get3A_89 = vector.load %arg7[%get3A_87, %get3A_88] : memref<128x128xf32, #tpu.memory_space<vmem>>, vector<128x128xf32>
    %broadcast_in_dim3A_90 = arith.constant 0.000000e+00 : f32
    %broadcast_in_dim3A_91 = vector.broadcast %broadcast_in_dim3A_90 : f32 to vector<1x128xf32>
    %scan3A = arith.constant 0 : i32
    %scan3A_92 = arith.constant 32 : i32
    %scan3A_93 = arith.addi %scan3A, %scan3A_92 : i32
    %scan3A_94 = arith.constant 1 : i32
    %scan3A_95 = scf.for %scan3A_97 = %scan3A to %scan3A_93 step %scan3A_94 iter_args(%scan3A_98 = %broadcast_in_dim3A_91) -> (vector<1x128xf32>)  : i32 {
      %dot_general3A_99 = arith.constant dense<0.000000e+00> : vector<1x128xf32>
      %dot_general3A_100 = tpu.matmul %scan3A_98, %get3A_89, %dot_general3A_99 {dimension_numbers = #tpu.dot_dimension_numbers<[1], [0], [0], [1], [0, 0, 1, 1], [], []>, transpose_lhs_hint = false} : vector<1x128xf32>, vector<128x128xf32>, vector<1x128xf32> -> vector<1x128xf32>
      %get3A_101 = arith.index_cast %scan3A_97 : i32 to index
      %get3A_102 = arith.constant 0 : index
      %get3A_103 = vector.load %arg9[%get3A_101, %get3A_102] : memref<32x128xf32, #tpu.memory_space<vmem>>, vector<1x128xf32>
      %get3A_104 = arith.index_cast %scan3A_97 : i32 to index
      %get3A_105 = arith.constant 0 : index
      %get3A_106 = vector.load %arg10[%get3A_104, %get3A_105] : memref<32x128xf32, #tpu.memory_space<vmem>>, vector<1x128xf32>
      %add3A_107 = arith.addf %get3A_103, %dot_general3A_100 : vector<1x128xf32>
      %logistic3A = arith.negf %add3A_107 : vector<1x128xf32>
      %logistic3A_108 = math.exp %logistic3A : vector<1x128xf32>
      %logistic3A_109 = arith.constant 1.000000e+00 : f32
      %logistic3A_110 = vector.broadcast %logistic3A_109 : f32 to vector<1x128xf32>
      %logistic3A_111 = arith.addf %logistic3A_110, %logistic3A_108 : vector<1x128xf32>
      %logistic3A_112 = arith.divf %logistic3A_110, %logistic3A_111 : vector<1x128xf32>
      %mul3A_113 = arith.mulf %logistic3A_112, %get3A_106 : vector<1x128xf32>
      %sub3A = arith.constant 1.000000e+00 : f32
      %sub3A_114 = vector.broadcast %sub3A : f32 to vector<1x128xf32>
      %sub3A_115 = arith.subf %sub3A_114, %logistic3A_112 : vector<1x128xf32>
      %mul3A_116 = arith.mulf %sub3A_115, %scan3A_98 : vector<1x128xf32>
      %add3A_117 = arith.addf %mul3A_113, %mul3A_116 : vector<1x128xf32>
      %ge3A = arith.constant 0.000000e+00 : f32
      %ge3A_118 = vector.broadcast %ge3A : f32 to vector<1x128xf32>
      %ge3A_119 = arith.cmpf oge, %add3A_117, %ge3A_118 : vector<1x128xf32>
      %mul3A_120 = arith.constant 0.00999999977 : f32
      %mul3A_121 = vector.broadcast %mul3A_120 : f32 to vector<1x128xf32>
      %mul3A_122 = arith.mulf %mul3A_121, %add3A_117 : vector<1x128xf32>
      %select_n3A = arith.select %ge3A_119, %add3A_117, %mul3A_122 : vector<1x128xi1>, vector<1x128xf32>
      %swap3A_123 = arith.index_cast %scan3A_97 : i32 to index
      %swap3A_124 = arith.constant 0 : index
      %swap3A_125 = vector.load %arg8[%swap3A_123, %swap3A_124] : memref<32x128xf32, #tpu.memory_space<vmem>>, vector<1x128xf32>
      tpu.vector_store %arg8[%swap3A_123, %swap3A_124], %select_n3A {strides = array<i32>} : memref<32x128xf32, #tpu.memory_space<vmem>>, vector<1x128xf32>,
      scf.yield %add3A_117 : vector<1x128xf32>
    }
    %scan3A_96 = arith.constant 32 : i32
    return
  }
}

module attributes {stable_mosaic.version = 14 : i64} {
  func.func @_logits_body(%arg0: i32, %arg1: i32, %arg2: memref<32x128xf32, #tpu.memory_space<vmem>>, %arg3: memref<128x2048xf32, #tpu.memory_space<vmem>>, %arg4: memref<1x2048xf32, #tpu.memory_space<vmem>>, %arg5: memref<32x2048xf32, #tpu.memory_space<vmem>>, %arg6: memref<20x32x2048xf32, #tpu.memory_space<vmem>>, %arg7: memref<32x1xf32, #tpu.memory_space<vmem>>, %arg8: memref<32x1xf32, #tpu.memory_space<vmem>>) attributes {dimension_semantics = [#tpu.dimension_semantics<arbitrary>, #tpu.dimension_semantics<arbitrary>], iteration_bounds = array<i64: 2, 20>, scalar_prefetch = 0 : i64, scratch_operands = 3 : i64, tpu.core_type = #tpu.core_type<tc>, window_params = [{pipeline_mode = #tpu.pipeline_mode<synchronous>, transform_indices = @transform_0, window_bounds = array<i64: 32, 128>}, {transform_indices = @transform_1, window_bounds = array<i64: 128, 2048>}, {transform_indices = @transform_2, window_bounds = array<i64: 1, 2048>}, {transform_indices = @transform_3, window_bounds = array<i64: 32, 2048>}]} {
    %eq3A = arith.constant 0 : i32
    %eq3A_0 = arith.cmpi eq, %arg0, %eq3A : i32
    %convert_element_type3A = arith.extui %eq3A_0 : i1 to i32
    %cond3A = arith.constant 0 : i32
    %cond3A_1 = arith.cmpi ne, %convert_element_type3A, %cond3A : i32
    scf.if %cond3A_1 {
      %get3A = arith.constant 0 : index
      %get3A_7 = arith.constant 0 : index
      %get3A_8 = vector.load %arg2[%get3A, %get3A_7] : memref<32x128xf32, #tpu.memory_space<vmem>>, vector<32x128xf32>
      %get3A_9 = arith.constant 0 : index
      %get3A_10 = arith.constant 0 : index
      %get3A_11 = vector.load %arg3[%get3A_9, %get3A_10] : memref<128x2048xf32, #tpu.memory_space<vmem>>, vector<128x2048xf32>
      %dot_general3A = arith.constant dense<0.000000e+00> : vector<32x2048xf32>
      %dot_general3A_12 = tpu.matmul %get3A_8, %get3A_11, %dot_general3A {dimension_numbers = #tpu.dot_dimension_numbers<[1], [0], [0], [1], [0, 0, 1, 1], [], []>, transpose_lhs_hint = false} : vector<32x128xf32>, vector<128x2048xf32>, vector<32x2048xf32> -> vector<32x2048xf32>
      %get3A_13 = arith.constant 0 : index
      %get3A_14 = arith.constant 0 : index
      %get3A_15 = vector.load %arg4[%get3A_13, %get3A_14] : memref<1x2048xf32, #tpu.memory_space<vmem>>, vector<1x2048xf32>
      %add3A = vector.broadcast %get3A_15 : vector<1x2048xf32> to vector<32x2048xf32>
      %add3A_16 = arith.addf %dot_general3A_12, %add3A : vector<32x2048xf32>
      %mul3A = arith.constant 2048 : i32
      %mul3A_17 = arith.muli %arg1, %mul3A : i32
      %iota3A = tpu.iota {dimensions = array<i32: 1>} : vector<32x2048xi32>
      %add3A_18 = vector.broadcast %mul3A_17 : i32 to vector<32x2048xi32>
      %add3A_19 = arith.addi %add3A_18, %iota3A : vector<32x2048xi32>
      %lt3A = arith.constant 40000 : i32
      %lt3A_20 = vector.broadcast %lt3A : i32 to vector<32x2048xi32>
      %lt3A_21 = arith.cmpi slt, %add3A_19, %lt3A_20 : vector<32x2048xi32>
      %jit3A = arith.constant -1.000000e+30 : f32
      %broadcast_in_dim3A = vector.broadcast %jit3A : f32 to vector<32x2048xf32>
      %select_n3A = arith.select %lt3A_21, %add3A_16, %broadcast_in_dim3A : vector<32x2048xi1>, vector<32x2048xf32>
      %swap3A = arith.index_cast %arg1 : i32 to index
      %swap3A_22 = arith.constant 0 : index
      %swap3A_23 = arith.constant 0 : index
      %swap3A_24 = vector.load %arg6[%swap3A, %swap3A_22, %swap3A_23] : memref<20x32x2048xf32, #tpu.memory_space<vmem>>, vector<1x32x2048xf32>
      %swap3A_25 = vector.shape_cast %swap3A_24 : vector<1x32x2048xf32> to vector<32x2048xf32>
      %swap3A_26 = vector.shape_cast %select_n3A : vector<32x2048xf32> to vector<1x32x2048xf32>
      tpu.vector_store %arg6[%swap3A, %swap3A_22, %swap3A_23], %swap3A_26 {strides = array<i32>} : memref<20x32x2048xf32, #tpu.memory_space<vmem>>, vector<1x32x2048xf32>,
      %eq3A_27 = arith.constant 0 : i32
      %eq3A_28 = arith.cmpi eq, %arg1, %eq3A_27 : i32
      %convert_element_type3A_29 = arith.extui %eq3A_28 : i1 to i32
      %cond3A_30 = arith.constant 0 : i32
      %cond3A_31 = arith.cmpi ne, %convert_element_type3A_29, %cond3A_30 : i32
      scf.if %cond3A_31 {
        %broadcast_in_dim3A_53 = arith.constant -1.000000e+30 : f32
        %broadcast_in_dim3A_54 = vector.broadcast %broadcast_in_dim3A_53 : f32 to vector<32x1xf32>
        %swap3A_55 = arith.constant 0 : index
        %swap3A_56 = arith.constant 0 : index
        %swap3A_57 = vector.load %arg7[%swap3A_55, %swap3A_56] : memref<32x1xf32, #tpu.memory_space<vmem>>, vector<32x1xf32>
        tpu.vector_store %arg7[%swap3A_55, %swap3A_56], %broadcast_in_dim3A_54 {strides = array<i32>} : memref<32x1xf32, #tpu.memory_space<vmem>>, vector<32x1xf32>,
        %broadcast_in_dim3A_58 = arith.constant 0.000000e+00 : f32
        %broadcast_in_dim3A_59 = vector.broadcast %broadcast_in_dim3A_58 : f32 to vector<32x1xf32>
        %swap3A_60 = arith.constant 0 : index
        %swap3A_61 = arith.constant 0 : index
        %swap3A_62 = vector.load %arg8[%swap3A_60, %swap3A_61] : memref<32x1xf32, #tpu.memory_space<vmem>>, vector<32x1xf32>
        tpu.vector_store %arg8[%swap3A_60, %swap3A_61], %broadcast_in_dim3A_59 {strides = array<i32>} : memref<32x1xf32, #tpu.memory_space<vmem>>, vector<32x1xf32>,
      } else {
      }
      %get3A_32 = arith.constant 0 : index
      %get3A_33 = arith.constant 0 : index
      %get3A_34 = vector.load %arg7[%get3A_32, %get3A_33] : memref<32x1xf32, #tpu.memory_space<vmem>>, vector<32x1xf32>
      %reduce_max3A = arith.constant dense<0xFF800000> : vector<32xf32>
      %reduce_max3A_35 = vector.multi_reduction <maximumf>, %select_n3A, %reduce_max3A [1] : vector<32x2048xf32> to vector<32xf32>
      %broadcast_in_dim3A_36 = vector.shape_cast %reduce_max3A_35 : vector<32xf32> to vector<32x1xf32>
      %max3A = arith.maximumf %get3A_34, %broadcast_in_dim3A_36 : vector<32x1xf32>
      %get3A_37 = arith.constant 0 : index
      %get3A_38 = arith.constant 0 : index
      %get3A_39 = vector.load %arg8[%get3A_37, %get3A_38] : memref<32x1xf32, #tpu.memory_space<vmem>>, vector<32x1xf32>
      %sub3A = arith.subf %get3A_34, %max3A : vector<32x1xf32>
      %exp3A = math.exp %sub3A : vector<32x1xf32>
      %mul3A_40 = arith.mulf %get3A_39, %exp3A : vector<32x1xf32>
      %sub3A_41 = vector.broadcast %max3A : vector<32x1xf32> to vector<32x2048xf32>
      %sub3A_42 = arith.subf %select_n3A, %sub3A_41 : vector<32x2048xf32>
      %exp3A_43 = math.exp %sub3A_42 : vector<32x2048xf32>
      %reduce_sum3A = arith.constant dense<0.000000e+00> : vector<32xf32>
      %reduce_sum3A_44 = vector.multi_reduction <add>, %exp3A_43, %reduce_sum3A [1] : vector<32x2048xf32> to vector<32xf32>
      %broadcast_in_dim3A_45 = vector.shape_cast %reduce_sum3A_44 : vector<32xf32> to vector<32x1xf32>
      %add3A_46 = arith.addf %mul3A_40, %broadcast_in_dim3A_45 : vector<32x1xf32>
      %swap3A_47 = arith.constant 0 : index
      %swap3A_48 = arith.constant 0 : index
      %swap3A_49 = vector.load %arg8[%swap3A_47, %swap3A_48] : memref<32x1xf32, #tpu.memory_space<vmem>>, vector<32x1xf32>
      tpu.vector_store %arg8[%swap3A_47, %swap3A_48], %add3A_46 {strides = array<i32>} : memref<32x1xf32, #tpu.memory_space<vmem>>, vector<32x1xf32>,
      %swap3A_50 = arith.constant 0 : index
      %swap3A_51 = arith.constant 0 : index
      %swap3A_52 = vector.load %arg7[%swap3A_50, %swap3A_51] : memref<32x1xf32, #tpu.memory_space<vmem>>, vector<32x1xf32>
      tpu.vector_store %arg7[%swap3A_50, %swap3A_51], %max3A {strides = array<i32>} : memref<32x1xf32, #tpu.memory_space<vmem>>, vector<32x1xf32>,
    } else {
    }
    %eq3A_2 = arith.constant 1 : i32
    %eq3A_3 = arith.cmpi eq, %arg0, %eq3A_2 : i32
    %convert_element_type3A_4 = arith.extui %eq3A_3 : i1 to i32
    %cond3A_5 = arith.constant 0 : i32
    %cond3A_6 = arith.cmpi ne, %convert_element_type3A_4, %cond3A_5 : i32
    scf.if %cond3A_6 {
      %get3A = arith.constant 0 : index
      %get3A_7 = arith.constant 0 : index
      %get3A_8 = vector.load %arg7[%get3A, %get3A_7] : memref<32x1xf32, #tpu.memory_space<vmem>>, vector<32x1xf32>
      %get3A_9 = arith.constant 0 : index
      %get3A_10 = arith.constant 0 : index
      %get3A_11 = vector.load %arg8[%get3A_9, %get3A_10] : memref<32x1xf32, #tpu.memory_space<vmem>>, vector<32x1xf32>
      %log3A = math.log %get3A_11 : vector<32x1xf32>
      %add3A = arith.addf %get3A_8, %log3A : vector<32x1xf32>
      %get3A_12 = arith.index_cast %arg1 : i32 to index
      %get3A_13 = arith.constant 0 : index
      %get3A_14 = arith.constant 0 : index
      %get3A_15 = vector.load %arg6[%get3A_12, %get3A_13, %get3A_14] : memref<20x32x2048xf32, #tpu.memory_space<vmem>>, vector<1x32x2048xf32>
      %get3A_16 = vector.shape_cast %get3A_15 : vector<1x32x2048xf32> to vector<32x2048xf32>
      %sub3A = vector.broadcast %add3A : vector<32x1xf32> to vector<32x2048xf32>
      %sub3A_17 = arith.subf %get3A_16, %sub3A : vector<32x2048xf32>
      %swap3A = arith.constant 0 : index
      %swap3A_18 = arith.constant 0 : index
      %swap3A_19 = vector.load %arg5[%swap3A, %swap3A_18] : memref<32x2048xf32, #tpu.memory_space<vmem>>, vector<32x2048xf32>
      tpu.vector_store %arg5[%swap3A, %swap3A_18], %sub3A_17 {strides = array<i32>} : memref<32x2048xf32, #tpu.memory_space<vmem>>, vector<32x2048xf32>,
    } else {
    }
    return
  }
  func.func @transform_0(%arg0: i32, %arg1: i32) -> (i32, i32) {
    %c0_i32 = arith.constant 0 : i32
    %c0_i32_0 = arith.constant 0 : i32
    %c0_i32_1 = arith.constant 0 : i32
    return %c0_i32, %c0_i32_0 : i32, i32
  }
  func.func @transform_1(%arg0: i32, %arg1: i32) -> (i32, i32) {
    %sub3A = arith.constant 1 : i32
    %sub3A_0 = arith.subi %sub3A, %arg0 : i32
    %mul3A = arith.muli %arg1, %sub3A_0 : i32
    %c0_i32 = arith.constant 0 : i32
    %c0_i32_1 = arith.constant 0 : i32
    return %c0_i32, %mul3A : i32, i32
  }
  func.func @transform_2(%arg0: i32, %arg1: i32) -> (i32, i32) {
    %sub3A = arith.constant 1 : i32
    %sub3A_0 = arith.subi %sub3A, %arg0 : i32
    %mul3A = arith.muli %arg1, %sub3A_0 : i32
    %c0_i32 = arith.constant 0 : i32
    %c0_i32_1 = arith.constant 0 : i32
    return %c0_i32, %mul3A : i32, i32
  }
  func.func @transform_3(%arg0: i32, %arg1: i32) -> (i32, i32) {
    %mul3A = arith.muli %arg0, %arg1 : i32
    %c0_i32 = arith.constant 0 : i32
    %c0_i32_0 = arith.constant 0 : i32
    return %c0_i32, %mul3A : i32, i32
  }
}

</mosaic_0001>

<sc_bundles>
// kernel: kernel.5.cloned.1.call-start
scs
__scs_entry_jumppad:
0x0: {  	(pc) =	sbr.rel $0x88, $3  }
0x1: {  	(tag) =	ssettag $0x0;
	lr =	simm.s32 $0x1  }
0x2: {  	[smem:$0x3F98] =	sst lr;
	_ =	strace $0xD0000000  }
0x3: {  	_ = 	snop  }
0x4: {  	_ = 	snop  }
0x5: {  	_ = 	snop  }
0x6: {  	_ = 	snop  }
0x7: {  	_ = 	snop  }
__scs_overlays_trampoline_lowered:
0x8: {  	[smem:$0x3FA7] =	sst s0  }
0x9: {  	[smem:$0x3FA8] =	sst s1  }
0xa: {  	[smem:$0x3FA9] =	sst s2  }
0xb: {  	[smem:$0x3FAA] =	sst s3  }
0xc: {  	[smem:$0x3FAB] =	sst s4  }
0xd: {  	[smem:$0x3FAC] =	sst s5  }
0xe: {  	[smem:$0x3FAD] =	sst s6  }
0xf: {  	[smem:$0x3FAE] =	sst s7  }
0x10: {  	[smem:$0x3FAF] =	sst s8  }
0x11: {  	[smem:$0x3FB0] =	sst s9;
	s0 =	simm.s32 @!p0 $0x0  }
0x12: {  	s1 =	sld [smem:$0x3F96];
	s0 =	simm.s32 @p0 $0x1  }
0x13: {  	[smem:$0x3FB1] =	sst s0;
	s0 =	simm.s32 @!p1 $0x0  }
0x14: {  	s2 =	sld [smem:$0x3F95];
	s0 =	simm.s32 @p1 $0x1  }
0x15: {  	[smem:$0x3FB2] =	sst s0;
	s0 =	simm.s32 @!p2 $0x0  }
0x16: {  	s3 =	sld [smem:$0x3FDB];
	s0 =	simm.s32 @p2 $0x1  }
0x17: {  	s4 =	simm.s32 $0x1BF5;
	[smem:$0x3FB4] =	sst s0  }
0x18: {  	s0 =	sld [smem:$0x3F97];
	_ =	swait.ge [sflag:s4], $0x0  }
0x19: {  	s7 =	sld [smem:$0x3F98]  }
0x1a: {  	s8 =	sadd.s32 $0xFFFFE003, lr  }
0x1b: {  	s9 =	sadd.s32 $0xFFFFFEF7, lr;
	s5 =	simm.s32 $0xFFFFFFFF;
	p2 =	slt.u32 s8, $0xFFFFF086  }
0x1c: {  	p1 =	slt.u32 s9, $0xF7A;
	s5 =	simm.s32 @!p2 $0x0  }
0x1d: {  	s5 =	simm.s32 @p1 $0x1;
	p0 =	seq.s32 s7, s2  }
0x1e: {  	s7 =	smul.u32 @!p0 $0xF7A, s2;
	p2 =	seq.s32 @!p0 s5, $0x0  }
0x1f: {  	s9 =	smul.u32 $0xF7A, s1;
	s8 =	simm.s32 @!p0 $0x1BF5;
	p2 =	por !p2, p0  }
0x20: {  	[sflag:s8] =	ssyncset.s32 @!p0 $0xFFFFF086;
	s6 =	sadd.s32 @!p0 s3, s7;
	s7 =	simm.s32 @!p0 $0x108  }
0x21: {  	s3 =	sadd.s32 s3, s9;
	s6 =	sadd.s32 @!p0 $0x88, s6;
	s7 =	simm.s32 @p2 $0x1082  }
0x22: {  	[simem:s7], [sflag:s8] =	dma.local @!p0 [hbm:s6], $0xF7A  }
0x23: {  	s9 =	sor.u32 $0xD0000000, s2;
	s6 =	simm.s32 $0x108;
	_ =	swait.ge @!p0 [sflag:s8], $0x0  }
0x24: {  	s3 =	sadd.s32 $0x88, s3;
	s6 =	simm.s32 @!p1 $0x1082;
	[sflag:s4] =	ssyncset.s32 $0xFFFFF086  }
0x25: {  	[simem:s6], [sflag:s4] =	dma.local [hbm:s3], $0xF7A  }
0x26: {  	[smem:$0x3F98] =	sst s1;
	(tag) =	ssettag s2;
	_ =	strace s9  }
0x27: {  	s1 =	sld [smem:$0x3FA8]  }
0x28: {  	s2 =	sld [smem:$0x3FA9]  }
0x29: {  	s4 =	sld [smem:$0x3FAB]  }
0x2a: {  	p0 =	seq.s32 s5, $0x0;
	s5 =	sld [smem:$0x3FAC]  }
0x2b: {  	s6 =	sld [smem:$0x3FAD]  }
0x2c: {  	s7 =	sld [smem:$0x3FAE]  }
0x2d: {  	s3 =	simm.s32 $0x108;
	s8 =	sld [smem:$0x3FAF]  }
0x2e: {  	s3 =	simm.s32 @!p0 $0x1082;
	s9 =	sld [smem:$0x3FB0]  }
0x2f: {  	lr =	sadd.s32 s0, s3;
	s0 =	sld [smem:$0x3FA7]  }
0x30: {  	s3 =	sld [smem:$0x3FAA]  }
0x31: {  	[smem:$0x3FB3] =	sst s10  }
0x32: {  	s10 =	sld [smem:$0x3FB1];
	_ =	sdelay $0x3  }
0x33: {  	p0 =	seq.s32 s10, $0x1;
	s10 =	sld [smem:$0x3FB3];
	_ =	sdelay $0x3  }
0x34: {  	[smem:$0x3FB3] =	sst s10  }
0x35: {  	s10 =	sld [smem:$0x3FB2];
	_ =	sdelay $0x3  }
0x36: {  	p1 =	seq.s32 s10, $0x1;
	s10 =	sld [smem:$0x3FB3];
	_ =	sdelay $0x3  }
0x37: {  	[smem:$0x3FB3] =	sst s10  }
0x38: {  	s10 =	sld [smem:$0x3FB4]  }
0x39: {  	_ = 	snop;
	(pc) =	sbr.ind lr, $3  }
0x3a: {  	_ = 	snop  }
0x3b: {  	_ = 	snop  }
0x3c: {  	p2 =	seq.s32 s10, $0x1;
	s10 =	sld [smem:$0x3FB3]  }
0x3d: {  	_ =	shalt  }
0x3e: {  	_ =	shalt  }
0x3f: {  	_ =	shalt  }
0x40: {  	_ =	shalt  }
0x41: {  	_ =	shalt  }
0x42: {  	_ =	shalt  }
0x43: {  	_ =	shalt  }
0x44: {  	_ =	shalt  }
0x45: {  	_ =	shalt  }
0x46: {  	_ =	shalt  }
0x47: {  	_ =	shalt  }
0x48: {  	_ =	shalt  }
0x49: {  	_ =	shalt  }
0x4a: {  	_ =	shalt  }
0x4b: {  	_ =	shalt  }
0x4c: {  	_ =	shalt  }
0x4d: {  	_ =	shalt  }
0x4e: {  	_ =	shalt  }
0x4f: {  	_ =	shalt  }
0x50: {  	_ =	shalt  }
0x51: {  	_ =	shalt  }
0x52: {  	_ =	shalt  }
0x53: {  	_ =	shalt  }
0x54: {  	_ =	shalt  }
0x55: {  	_ =	shalt  }
0x56: {  	_ =	shalt  }
0x57: {  	_ =	shalt  }
0x58: {  	_ =	shalt  }
0x59: {  	_ =	shalt  }
0x5a: {  	_ =	shalt  }
0x5b: {  	_ =	shalt  }
0x5c: {  	_ =	shalt  }
0x5d: {  	_ =	shalt  }
0x5e: {  	_ =	shalt  }
0x5f: {  	_ =	shalt  }
0x60: {  	_ =	shalt  }
0x61: {  	_ =	shalt  }
0x62: {  	_ =	shalt  }
0x63: {  	_ =	shalt  }
0x64: {  	_ =	shalt  }
0x65: {  	_ =	shalt  }
0x66: {  	_ =	shalt  }
0x67: {  	_ =	shalt  }
0x68: {  	_ =	shalt  }
0x69: {  	_ =	shalt  }
0x6a: {  	_ =	shalt  }
0x6b: {  	_ =	shalt  }
0x6c: {  	_ =	shalt  }
0x6d: {  	_ =	shalt  }
0x6e: {  	_ =	shalt  }
0x6f: {  	_ =	shalt  }
0x70: {  	_ =	shalt  }
0x71: {  	_ =	shalt  }
0x72: {  	_ =	shalt  }
0x73: {  	_ =	shalt  }
0x74: {  	_ =	shalt  }
0x75: {  	_ =	shalt  }
0x76: {  	_ =	shalt  }
0x77: {  	_ =	shalt  }
0x78: {  	_ =	shalt  }
0x79: {  	_ =	shalt  }
0x7a: {  	_ =	shalt  }
0x7b: {  	_ =	shalt  }
0x7c: {  	_ =	shalt  }
0x7d: {  	_ =	shalt  }
0x7e: {  	_ =	shalt  }
0x7f: {  	_ =	shalt  }
0x80: {  	_ =	shalt  }
0x81: {  	_ =	shalt  }
0x82: {  	_ =	shalt  }
0x83: {  	_ =	shalt  }
0x84: {  	_ =	shalt  }
0x85: {  	_ =	shalt  }
0x86: {  	_ =	shalt  }
0x87: {  	_ =	shalt  }
.Lfunc_end0:
.L_simem_size_0:
called_computation_lowered:
.L_overlay_start_0:
0x88: {  	s2 =	sld [smem:$0x3FD9]  }
0x89: {  	s3 =	sld [smem:$0x3FFE];
	_ =	sdelay $0x1  }
0x8a: {  	s1 =	srdreg.scid  }
0x8b: {  	s0 =	sand.u32 $0x1, s1  }
0x8c: {  	s14 =	sshll.u32 s0, $0xA;
	s2 =	sadd.s32 s3, s2  }
0x8d: {  	s2 =	sadd.s32 s2, s14  }
0x8e: {  	[smem:$0x3FBF] =	sst s2  }
0x8f: {  	_ = 	snop  }
0x90: {  	s2 =	sld [smem:$0x3FD0];
	_ =	sdelay $0x2  }
0x91: {  	s4 =	simm.s32 $0xA;
	s5 =	simm.s32 $0x10;
	s15 =	sld [smem:$0x3FC9]  }
0x92: {  	[smem:s5], [sflag:s4] =	dma.local [hbm:s2], $0x1  }
0x93: {  	_ =	swait.eq [sflag:s4], $0x1  }
0x94: {  	[sflag:s4] =	ssyncset.done $0x0  }
0x95: {  	[sflag:s4] =	ssyncadd.s32 $0xFFFFFFFF  }
0x96: {  	s16 =	sld [smem:$0x10];
	(tm) =	ssettm $0x1  }
0x97: {  	s17 =	sld [smem:$0x3FFB];
	_ =	sdelay $0x3  }
0x98: {  	_ =	strace s17  }
0x99: {  	s4 =	sld [smem:$0x3FFC];
	_ =	sdelay $0x3  }
0x9a: {  	_ =	strace s4  }
0x9b: {  	s4 =	sld [smem:$0x3FFD];
	_ =	sdelay $0x3  }
0x9c: {  	_ =	strace s4  }
0x9d: {  	_ =	strace $0x8FFFFFFF  }
0x9e: {  	s18 =	sld [smem:$0x3FDB];
	_ =	sdelay $0x1  }
0x9f: {  	s19 =	simm.s32 $_scs_section_size  }
0xa0: {  	s6 =	simm.s32 $_size__tile_overlayer_lowered;
	s7 =	simm.s32 $_tile_overlayer_lowered  }
0xa1: {  	s22 =	simm.s32 $0x1BFF;
	s21 =	sshll.u32 s7, $0x1;
	s4 =	sadd.s32 s19, s18  }
0xa2: {  	s8 =	simm.s32 $0x0;
	s20 =	sshll.u32 s6, $0x1;
	s6 =	sadd.s32 s21, s4  }
0xa3: {  	[timem:s8], [sflag:s22] =	dma.local [hbm:s6], s20  }
0xa4: {  	_ =	swait.ge [sflag:s22], s20  }
0xa5: {  	s5 =	ssub.s32 $0x0, s20;
	[sflag:s22] =	ssyncset.done $0x0  }
0xa6: {  	[sflag:s22] =	ssyncadd.s32 s5;
	_ =	sdelay $0x1  }
0xa7: {  	s23 =	simm.s32 $0x1B8B  }
0xa8: {  	_ =	swait.ge [sflag:s23], $0x1  }
0xa9: {  	[sflag:s23] =	ssyncset.done $0x0  }
0xaa: {  	s25 =	simm.s32 $0x1B8E;
	s24 =	sld [smem:$0x3FFE];
	[sflag:s23] =	ssyncadd.s32 $0xFFFFFFFF  }
0xab: {  	s26 =	simm.s32 $execute0_lowered;
	[smem:$0x3FD2] =	sst s25  }
0xac: {  	s6 =	sshll.u32 s26, $0x1;
	_ =	strace $0x80000046;
	[dreg:$0x1] =	wrdreg $0xFFFFFFFF  }
0xad: {  	s28 =	simm.s32 $_size_execute0_lowered;
	s4 =	sadd.s32 s4, s6;
	[dreg:$0x0] =	wrdreg $0x0  }
0xae: {  	s6 =	sshll.u32 s28, $0x1;
	[dreg:$0x2] =	wrdreg s4  }
0xaf: {  	[dreg:$0x3] =	wrdreg s6  }
0xb0: {  	[dreg:$0x4] =	wrdreg $0xC0  }
0xb1: {  	_ =	task [dreg:s8], $0x5FFFF  }
0xb2: {  	[dreg:$0x1] =	wrdreg $0xFFFFFFFF  }
0xb3: {  	[dreg:$0x0] =	wrdreg $0x60  }
0xb4: {  	[dreg:$0x2] =	wrdreg s15  }
0xb5: {  	[dreg:$0x3] =	wrdreg s24  }
0xb6: {  	[dreg:$0x4] =	wrdreg s16  }
0xb7: {  	[dreg:$0x5] =	wrdreg $0x9  }
0xb8: {  	_ =	task.clear_ibuf [dreg:s8], $0x6FFFF;
	_ =	strace $0x90000046  }
0xb9: {  	s29 =	simm.s32 $0x9;
	_ =	strace $0x80000048  }
0xba: {  	_ =	swait.ge [sflag:s29], $0x1  }
0xbb: {  	[sflag:s29] =	ssyncadd.s32 $0xFFFFFFFF  }
0xbc: {  	_ =	strace $0x90000048  }
0xbd: {  	_ =	sfence  }
0xbe: {  	s30 =	sld [smem:$0x0];
	_ =	sdelay $0x2  }
0xbf: {  	s31 =	sshll.u32 s1, $0xD;
	s1 =	sshrl.u32 s1, $0x2  }
0xc0: {  	s3 =	sand.u32 $0x4000, s31;
	s1 =	sadd.s32 s1, s30  }
0xc1: {  	s0 =	sor.u32 s3, s0;
	s1 =	sshll.u32 s1, $0x11  }
0xc2: {  	s0 =	sor.u32 s1, s0  }
0xc3: {  	s0 =	sadd.s32 $0x8F2B, s0  }
0xc4: {  	[sflag:s0] =	ssyncadd.remote.s32 $0x1  }
0xc5: {  	_ =	sfence.sel $0xFFFF  }
0xc6: {  	[dreg:$0x0] =	wrdreg $0xFFFFFFFF;
	(pc) =	sbr.abs _section_cstart, $3  }
0xc7: {  	[dreg:$0x1] =	wrdreg $0xFFFFFFFF  }
0xc8: {  	_ =	task.clear_ibuf [dreg:s8], $0x2FFFF;
	_ =	strace $0x9FFFFFFF  }
0xc9: {  	(tm) =	ssettm $0x7FFFFFFF  }
tec
execute0_lowered:
.L_overlay_start_1:
0x0: {  	(tag) =	ssettag $0x1  }
0x1: {  	s2 =	srdreg.scid  }
0x2: {  	s1 =	rddreg [dreg:$0x0];
	s0 =	stileid.u32;
	s6 =	sand.u32 $0x1, s2  }
0x3: {  	s4 =	rddreg [dreg:$0x1];
	s30 =	sshll.u32 s0, $0x6;
	s3 =	sshll.u32 s6, $0x5  }
0x4: {  	s9 =	rddreg [dreg:$0x2];
	s10 =	sor.u32 s3, s30  }
0x5: {  	s2 =	rddreg [dreg:$0x3];
	s3 =	simm.s32 $0x0;
	s5 =	sshrl.u32 s10, $0x3  }
0x6: {  	s11 =	ssub.s32 $0x2, s6;
	[smem:$0x7FF] =	sst s3;
	s4 =	sadd.s32 s5, s4  }
0x7: {  	_ =	strace $0x80000047;
	s5 =	sadd.s32 $0x1800, s4;
	s4 =	simm.s32 $0x2  }
0x8: {  	[tilespmem:s3], [sflag:$0x2] =	stream.linear.gather [hbm4b:s5+s3], $0x20, $0x38;
	[tilespmem:$0x1080] =	vst v63  }
0x9: {  	s7 =	simm.s32 $0x80;
	s12 =	sshrl.u32 s11, $0x1;
	_ =	swait.ge [sflag:s4], $0x20  }
0xa: {  	s8 =	simm.s32 $0x1;
	s11 =	ssub.s32 s11, s12;
	[sflag:s4] =	ssyncset.done $0x0  }
0xb: {  	s6 =	simm.s32 $0x20;
	s31 =	smax.u32 s11, $0x1;
	[sflag:s4] =	ssyncadd.s32 $0xFFFFFFE0  }
0xc: {  	[tilespmem:s7], [sflag:$0x1] =	stream.indirect.gather [hbm4b:s1+s6], $0x80, s3, s6, $0xb8;
	[tilespmem:$0x1080] =	vst v63  }
0xd: {  	p0 =	sne.s32 s31, $0x1;
	_ =	swait.ge [sflag:s8], $0x1000  }
.Ltmp0:
0xe: {  	s10 =	sshll.u32 s10, $0x4;
	[sflag:s8] =	ssyncset.done $0x0;
	(pc) =	sbr.rel @!p0 .LBB2_2-.Ltmp0, $4  }
0xf: {  	s9 =	sadd.s32 s9, s10;
	[sflag:s8] =	ssyncadd.s32 $0xFFFFF000  }
0x10: {  	[hbm4b:s9+s3] =	stream.linear.scatter [tilespmem:s7], [sflag:$0x2], $0x1000, $0x38;
	[tilespmem:$0x1080] =	vst v63  }
0x11: {  	_ =	swait.ge [sflag:s4], $0x1000  }
0x12: {  	s10 =	sadd.s32 $0xFFFFFFFF, s31;
	[sflag:s4] =	ssyncset.done $0x0  }
.LBB2_1:
0x13: {  	p0 =	sne.s32 s10, $0x1;
	s10 =	sadd.s32 $0xFFFFFFFF, s10;
	[sflag:s4] =	ssyncadd.s32 $0xFFFFF000  }
0x14: {  	[tilespmem:s3], [sflag:$0x2] =	stream.linear.gather [hbm4b:s5+s3], $0x20, $0x38;
	[tilespmem:$0x1080] =	vst v63  }
0x15: {  	_ =	swait.ge [sflag:s4], $0x20  }
0x16: {  	[sflag:s4] =	ssyncset.done $0x0  }
0x17: {  	[sflag:s4] =	ssyncadd.s32 $0xFFFFFFE0  }
0x18: {  	[tilespmem:s7], [sflag:$0x1] =	stream.indirect.gather [hbm4b:s1+s6], $0x80, s3, s6, $0xb8;
	[tilespmem:$0x1080] =	vst v63  }
0x19: {  	_ =	swait.ge [sflag:s8], $0x1000  }
.Ltmp1:
0x1a: {  	[sflag:s8] =	ssyncset.done $0x0;
	(pc) =	sbr.rel @p0 .LBB2_1-.Ltmp1, $4  }
0x1b: {  	[sflag:s8] =	ssyncadd.s32 $0xFFFFF000  }
0x1c: {  	[hbm4b:s9+s3] =	stream.linear.scatter [tilespmem:s7], [sflag:$0x2], $0x1000, $0x38;
	[tilespmem:$0x1080] =	vst v63  }
0x1d: {  	_ =	swait.ge [sflag:s4], $0x1000  }
0x1e: {  	[sflag:s4] =	ssyncset.done $0x0  }
.LBB2_2:
0x1f: {  	[sflag:s4] =	ssyncadd.s32 $0xFFFFF000  }
0x20: {  	_ =	sfence.sel $0x180000  }
0x21: {  	[bflag:$0x0] =	sbarrier.arrive $0xFFFF  }
0x22: {  	p0 =	sne.s32 s0, $0x0;
	_ =	strace $0x90000047  }
0x23: {  	s0 =	sadd.s32 @!p0 $0x100000, s2;
	[bflag:$0x2] =	sbarrier.arrive $0xFFFF  }
0x24: {  	[sflag:s0] =	ssyncadd.tile.s32 @!p0 $0x1;
	_ =	shalt  }
.Lfunc_end2:
_tile_overlayer_lowered:
.L_overlay_start_2:
0x25: {  	(tag) =	ssettag $0x2  }
0x26: {  	s0 =	rddreg [dreg:$0x0];
	s2 =	stileid.u32  }
0x27: {  	s1 =	rddreg [dreg:$0x1];
	p0 =	sne.s32 s2, $0x0  }
0x28: {  	s3 =	rddreg [dreg:$0x2];
	[bflag:$0x3] =	sbarrier.arrive $0xFFFF;
	s2 =	simm.s32 @!p0 $0x1C02  }
0x29: {  	[timem:s3], [sflag:s2] =	dma.local @!p0 [hbm:s0], s1  }
0x2a: {  	s0 =	simm.s32 @!p0 $0x2  }
0x2b: {  	_ =	swait.ge @!p0 [sflag:s0], s1  }
0x2c: {  	s1 =	ssub.s32 @!p0 $0x0, s1;
	[sflag:s0] =	ssyncset.done @!p0 $0x0  }
0x2d: {  	[sflag:s0] =	ssyncadd.s32 @!p0 s1  }
0x2e: {  	[bflag:$0x3] =	sbarrier.arrive $0xFFFF  }
0x2f: {  	_ =	shalt  }

</sc_bundles>
